<compile_context>
chip_gen: v7x
topology: tpu7x:2x2x1
jax: 0.10.2.dev20260603
libtpu: 0.0.44.dev20260713+nightly
codegen_flags: <defaults>
</compile_context>

<pallas_src>
import functools
import jax
import jax.numpy as jnp
from jax import lax
from jax.experimental import pallas as pl
from jax.experimental.pallas import tpu as pltpu
from jax.experimental.pallas import tpu_sc as plsc

_BLK = 512
_RB = 512
_SRC_ROWS = 16
_SC_FRAC = 2


def _read_kernel(a_ref, d_ref, acc_ref):
    i = pl.program_id(0)

    @pl.when(i == 0)
    def _():
        acc_ref[...] = jnp.zeros_like(acc_ref)

    acc_ref[...] += jnp.sum(a_ref[...], axis=0, keepdims=True)

    @pl.when(i == pl.num_programs(0) - 1)
    def _():
        d_ref[...] = (acc_ref[...] == 1.0).astype(jnp.float32)


def _write_kernel(inout_ref, ones_ref):
    del inout_ref
    ones_ref[...] = jnp.ones_like(ones_ref)


def _fix_kernel(flags_ref, d_ref, a_ref, inout_ref, out_ref,
                aij_s, aji_s, res_s, dj_s, di_s, sem_a, sem_b, sem_o,
                sem_dj, sem_di):
    del inout_ref
    t = flags_ref.shape[0]

    def body(r, carry):
        i = r // t
        j = r % t

        @pl.when((flags_ref[i] | flags_ref[j]) > 0)
        def _():
            cp_a = pltpu.make_async_copy(
                a_ref.at[pl.ds(i * _BLK, _BLK), pl.ds(j * _BLK, _BLK)],
                aij_s, sem_a)
            cp_b = pltpu.make_async_copy(
                a_ref.at[pl.ds(j * _BLK, _BLK), pl.ds(i * _BLK, _BLK)],
                aji_s, sem_b)
            cp_dj = pltpu.make_async_copy(
                d_ref.at[:, pl.ds(j * _BLK, _BLK)], dj_s, sem_dj)
            cp_di = pltpu.make_async_copy(
                d_ref.at[:, pl.ds(i * _BLK, _BLK)], di_s, sem_di)
            cp_a.start()
            cp_b.start()
            cp_dj.start()
            cp_di.start()
            cp_a.wait()
            cp_b.wait()
            cp_dj.wait()
            cp_di.wait()
            res_s[...] = (1.0 - aij_s[...] * dj_s[...]
                          - (aji_s[...] * di_s[...]).T)
            cp_o = pltpu.make_async_copy(
                res_s, out_ref.at[pl.ds(i * _BLK, _BLK), pl.ds(j * _BLK, _BLK)],
                sem_o)
            cp_o.start()
            cp_o.wait()

        return carry

    jax.lax.fori_loop(0, t * t, body, 0)


def kernel(modified_adj):
    n = modified_adj.shape[0]
    t = n // _BLK
    sc_rows = n // _SC_FRAC
    info = plsc.get_sparse_core_info()
    nw = info.num_cores * info.num_subcores
    rows_per_w = sc_rows // nw
    sc_iters = rows_per_w // _SRC_ROWS
    mesh = plsc.VectorSubcoreMesh(core_axis_name="c", subcore_axis_name="s")

    @functools.partial(
        pl.kernel,
        out_type=jax.ShapeDtypeStruct((n, n), jnp.float32),
        mesh=mesh,
        scratch_types=[
            pltpu.VMEM((_SRC_ROWS, n), jnp.float32),
            pltpu.SemaphoreType.DMA,
        ],
    )
    def sc_ones_top(src_hbm, out_hbm, buf_v, sem):
        wid = lax.axis_index("s") * info.num_cores + lax.axis_index("c")
        base = wid * rows_per_w
        pltpu.sync_copy(src_hbm, buf_v)

        def body(k, carry):
            pltpu.async_copy(
                buf_v, out_hbm.at[pl.ds(base + k * _SRC_ROWS, _SRC_ROWS), :],
                sem)
            return carry

        lax.fori_loop(0, sc_iters, body, 0)

        def drain(k, carry):
            pltpu.make_async_copy(
                buf_v, out_hbm.at[pl.ds(base + k * _SRC_ROWS, _SRC_ROWS), :],
                sem).wait()
            return carry

        lax.fori_loop(0, sc_iters, drain, 0)

    src = jnp.ones((_SRC_ROWS, n), jnp.float32)
    ones_top = sc_ones_top(src)

    d = pl.pallas_call(
        _read_kernel,
        grid=(n // _RB,),
        in_specs=[pl.BlockSpec((_RB, n), lambda i: (i, 0))],
        out_specs=pl.BlockSpec((1, n), lambda i: (0, 0)),
        out_shape=jax.ShapeDtypeStruct((1, n), jnp.float32),
        scratch_shapes=[pltpu.VMEM((1, n), jnp.float32)],
    )(modified_adj)

    bot_steps = (n - sc_rows) // _RB
    bot_off = sc_rows // _RB
    ones = pl.pallas_call(
        _write_kernel,
        grid=(bot_steps,),
        in_specs=[pl.BlockSpec(memory_space=pltpu.MemorySpace.HBM)],
        out_specs=pl.BlockSpec((_RB, n), lambda i: (i + bot_off, 0)),
        out_shape=jax.ShapeDtypeStruct((n, n), jnp.float32),
        input_output_aliases={0: 0},
    )(ones_top)

    flags = (jnp.max(d.reshape(t, _BLK), axis=1) > 0.0).astype(jnp.int32)

    out = pl.pallas_call(
        _fix_kernel,
        grid=(1,),
        in_specs=[
            pl.BlockSpec(memory_space=pltpu.MemorySpace.SMEM),
            pl.BlockSpec(memory_space=pltpu.MemorySpace.HBM),
            pl.BlockSpec(memory_space=pltpu.MemorySpace.HBM),
            pl.BlockSpec(memory_space=pltpu.MemorySpace.HBM),
        ],
        out_specs=pl.BlockSpec(memory_space=pltpu.MemorySpace.HBM),
        out_shape=jax.ShapeDtypeStruct((n, n), jnp.float32),
        input_output_aliases={3: 0},
        scratch_shapes=[
            pltpu.VMEM((_BLK, _BLK), jnp.float32),
            pltpu.VMEM((_BLK, _BLK), jnp.float32),
            pltpu.VMEM((_BLK, _BLK), jnp.float32),
            pltpu.VMEM((1, _BLK), jnp.float32),
            pltpu.VMEM((1, _BLK), jnp.float32),
            pltpu.SemaphoreType.DMA,
            pltpu.SemaphoreType.DMA,
            pltpu.SemaphoreType.DMA,
            pltpu.SemaphoreType.DMA,
            pltpu.SemaphoreType.DMA,
        ],
    )(flags, d, modified_adj, ones)
    return out

# --- scband reference (transcript-rebuilt; emitter-appended) ---
"""Pipeline reference for scband-base-attack-49400713838980 (READ-ONLY COPY).

The authoritative reference and input builder live on the scoring server;
editing this copy changes nothing except your own understanding.
"""

import jax, jax.numpy as jnp
import numpy as np

N = 4096

def setup_inputs(seed: int = 0) -> dict:
    key = jax.random.key(seed)
    modified_adj = jax.random.uniform(key, (N, N), dtype=jnp.float32)
    return {"modified_adj": modified_adj}

def reference(modified_adj):
    # Faithful translation of BaseAttack.filter_potential_singletons
    degrees = modified_adj.sum(0)
    degree_one = (degrees == 1)
    # resh = degree_one.repeat(N, 1).float()
    resh = jnp.tile(degree_one[None, :].astype(jnp.float32), (modified_adj.shape[0], 1))
    l_and = resh * modified_adj
    logical_and_symmetric = l_and + l_and.T
    flat_mask = 1.0 - logical_and_symmetric
    return flat_mask

if __name__ == "__main__":
    import jax
    _d = setup_inputs()
    print(jax.jit(kernel)(*tuple(_d.values())))

</pallas_src>

<mosaic_0001>
#map = affine_map<(d0, d1) -> (0, 0)>
module attributes {stable_mosaic.version = 14 : i64} {
  func.func @sc_ones_top(%arg0: i32, %arg1: i32, %arg2: memref<16x4096xf32, #tpu.memory_space<hbm>>, %arg3: memref<4096x4096xf32, #tpu.memory_space<hbm>>, %arg4: memref<16x4096xf32, #tpu.memory_space<vmem>>, %arg5: memref<!tpu.dma_semaphore, #tpu.memory_space<semaphore_mem>>) attributes {dimension_semantics = [#tpu.dimension_semantics<core_parallel>, #tpu.dimension_semantics<subcore_parallel>], iteration_bounds = array<i64: 2, 16>, scalar_prefetch = 0 : i64, scratch_operands = 2 : i64, tpu.core_type = #tpu.core_type<sc_vector_subcore>, window_params = [{transform_indices = #map}, {transform_indices = #map}]} {
    %mul3A = arith.constant 2 : i32
    %mul3A_0 = arith.muli %arg1, %mul3A : i32
    %add3A = arith.addi %mul3A_0, %arg0 : i32
    %mul3A_1 = arith.constant 64 : i32
    %mul3A_2 = arith.muli %add3A, %mul3A_1 : i32
    "tpu.region"() ({
      %run_scoped3A = tpu.sem_alloc : memref<!tpu.dma_semaphore, #tpu.memory_space<semaphore_mem>>
      tpu.enqueue_dma source(%arg2 : memref<16x4096xf32, #tpu.memory_space<hbm>>) target(%arg4 : memref<16x4096xf32, #tpu.memory_space<vmem>>) target_semaphore(%run_scoped3A : memref<!tpu.dma_semaphore, #tpu.memory_space<semaphore_mem>>)
      tpu.wait_dma2 semaphore(%run_scoped3A : memref<!tpu.dma_semaphore, #tpu.memory_space<semaphore_mem>>) src(%arg2 : memref<16x4096xf32, #tpu.memory_space<hbm>>) dst(%arg4 : memref<16x4096xf32, #tpu.memory_space<vmem>>)
      tpu.yield
    }) : () -> ()
    %scan3A = arith.constant 0 : i32
    %scan3A_3 = arith.constant 0 : i32
    %scan3A_4 = arith.constant 4 : i32
    %scan3A_5 = arith.addi %scan3A_3, %scan3A_4 : i32
    %scan3A_6 = arith.constant 1 : i32
    scf.for %scan3A_14 = %scan3A_3 to %scan3A_5 step %scan3A_6  : i32 {
      %mul3A_15 = arith.constant 16 : i32
      %mul3A_16 = arith.muli %scan3A_14, %mul3A_15 : i32
      %add3A_17 = arith.addi %mul3A_2, %mul3A_16 : i32
      %dma_start3A = arith.constant 0 : i32
      %dma_start3A_18 = tpu.memref_slice %arg3[%add3A_17, %dma_start3A] : memref<4096x4096xf32, #tpu.memory_space<hbm>> -> memref<16x4096xf32, #tpu.memory_space<hbm>>
      %dma_start3A_19 = arith.constant 0 : i32
      %dma_start3A_20 = tpu.memref_slice %arg3[%add3A_17, %dma_start3A_19] : memref<4096x4096xf32, #tpu.memory_space<hbm>> -> memref<16x4096xf32, #tpu.memory_space<hbm>>
      tpu.enqueue_dma source(%arg4 : memref<16x4096xf32, #tpu.memory_space<vmem>>) target(%dma_start3A_20 : memref<16x4096xf32, #tpu.memory_space<hbm>>) target_semaphore(%arg5 : memref<!tpu.dma_semaphore, #tpu.memory_space<semaphore_mem>>)
    }
    %scan3A_7 = arith.constant 4 : i32
    %scan3A_8 = arith.constant 0 : i32
    %scan3A_9 = arith.constant 0 : i32
    %scan3A_10 = arith.constant 4 : i32
    %scan3A_11 = arith.addi %scan3A_9, %scan3A_10 : i32
    %scan3A_12 = arith.constant 1 : i32
    scf.for %scan3A_14 = %scan3A_9 to %scan3A_11 step %scan3A_12  : i32 {
      %mul3A_15 = arith.constant 16 : i32
      %mul3A_16 = arith.muli %scan3A_14, %mul3A_15 : i32
      %add3A_17 = arith.addi %mul3A_2, %mul3A_16 : i32
      %dma_wait3A = arith.constant 0 : i32
      %dma_wait3A_18 = tpu.memref_slice %arg3[%add3A_17, %dma_wait3A] : memref<4096x4096xf32, #tpu.memory_space<hbm>> -> memref<16x4096xf32, #tpu.memory_space<hbm>>
      %dma_wait3A_19 = arith.constant 0 : i32
      %dma_wait3A_20 = tpu.memref_slice %arg3[%add3A_17, %dma_wait3A_19] : memref<4096x4096xf32, #tpu.memory_space<hbm>> -> memref<16x4096xf32, #tpu.memory_space<hbm>>
      tpu.wait_dma2 semaphore(%arg5 : memref<!tpu.dma_semaphore, #tpu.memory_space<semaphore_mem>>) src(%arg4 : memref<16x4096xf32, #tpu.memory_space<vmem>>) dst(%dma_wait3A_20 : memref<16x4096xf32, #tpu.memory_space<hbm>>)
    }
    %scan3A_13 = arith.constant 4 : i32
    return
  }
}

module attributes {stable_mosaic.version = 14 : i64} {
  func.func @_write_kernel(%arg0: i32, %arg1: memref<4096x4096xf32, #tpu.memory_space<hbm>>, %arg2: memref<512x4096xf32, #tpu.memory_space<vmem>>) attributes {dimension_semantics = [#tpu.dimension_semantics<arbitrary>], iteration_bounds = array<i64: 4>, scalar_prefetch = 0 : i64, scratch_operands = 0 : i64, tpu.core_type = #tpu.core_type<tc>, window_params = [{}, {transform_indices = @transform_1, window_bounds = array<i64: 512, 4096>}]} {
    %broadcast_in_dim3A = arith.constant 1.000000e+00 : f32
    %broadcast_in_dim3A_0 = vector.broadcast %broadcast_in_dim3A : f32 to vector<512x4096xf32>
    %swap3A = arith.constant 0 : index
    %swap3A_1 = arith.constant 0 : index
    %swap3A_2 = vector.load %arg2[%swap3A, %swap3A_1] : memref<512x4096xf32, #tpu.memory_space<vmem>>, vector<512x4096xf32>
    tpu.vector_store %arg2[%swap3A, %swap3A_1], %broadcast_in_dim3A_0 {strides = array<i32>} : memref<512x4096xf32, #tpu.memory_space<vmem>>, vector<512x4096xf32>,
    return
  }
  func.func @transform_1(%arg0: i32) -> (i32, i32) {
    %add3A = arith.constant 4 : i32
    %add3A_0 = arith.addi %arg0, %add3A : i32
    %c0_i32 = arith.constant 0 : i32
    %c0_i32_1 = arith.constant 0 : i32
    return %add3A_0, %c0_i32 : i32, i32
  }
}

module attributes {stable_mosaic.version = 14 : i64} {
  func.func @_fix_kernel(%arg0: i32, %arg1: memref<8xi32, #tpu.memory_space<smem>>, %arg2: memref<1x4096xf32, #tpu.memory_space<hbm>>, %arg3: memref<4096x4096xf32, #tpu.memory_space<hbm>>, %arg4: memref<4096x4096xf32, #tpu.memory_space<hbm>>, %arg5: memref<4096x4096xf32, #tpu.memory_space<hbm>>, %arg6: memref<512x512xf32, #tpu.memory_space<vmem>>, %arg7: memref<512x512xf32, #tpu.memory_space<vmem>>, %arg8: memref<512x512xf32, #tpu.memory_space<vmem>>, %arg9: memref<1x512xf32, #tpu.memory_space<vmem>>, %arg10: memref<1x512xf32, #tpu.memory_space<vmem>>, %arg11: memref<!tpu.dma_semaphore, #tpu.memory_space<semaphore_mem>>, %arg12: memref<!tpu.dma_semaphore, #tpu.memory_space<semaphore_mem>>, %arg13: memref<!tpu.dma_semaphore, #tpu.memory_space<semaphore_mem>>, %arg14: memref<!tpu.dma_semaphore, #tpu.memory_space<semaphore_mem>>, %arg15: memref<!tpu.dma_semaphore, #tpu.memory_space<semaphore_mem>>) attributes {dimension_semantics = [#tpu.dimension_semantics<arbitrary>], iteration_bounds = array<i64: 1>, scalar_prefetch = 0 : i64, scratch_operands = 10 : i64, tpu.core_type = #tpu.core_type<tc>, window_params = [{transform_indices = @transform_0, window_bounds = array<i64: 8>}, {}, {}, {}, {}]} {
    %scan3A = arith.constant 0 : i32
    %scan3A_0 = arith.constant 64 : i32
    %scan3A_1 = arith.addi %scan3A, %scan3A_0 : i32
    %scan3A_2 = arith.constant 1 : i32
    scf.for %scan3A_4 = %scan3A to %scan3A_1 step %scan3A_2  : i32 {
      %jit3A = arith.constant 8 : i32
      %div3A = arith.divsi %scan3A_4, %jit3A : i32
      %sign3A = arith.constant 0 : i32
      %sign3A_5 = arith.cmpi sgt, %scan3A_4, %sign3A : i32
      %sign3A_6 = arith.extui %sign3A_5 : i1 to i32
      %sign3A_7 = arith.constant 0 : i32
      %sign3A_8 = arith.cmpi slt, %scan3A_4, %sign3A_7 : i32
      %sign3A_9 = arith.extui %sign3A_8 : i1 to i32
      %sign3A_10 = arith.subi %sign3A_6, %sign3A_9 : i32
      %sign3A_11 = arith.constant 0 : i32
      %sign3A_12 = arith.cmpi sgt, %jit3A, %sign3A_11 : i32
      %sign3A_13 = arith.extui %sign3A_12 : i1 to i32
      %sign3A_14 = arith.constant 0 : i32
      %sign3A_15 = arith.cmpi slt, %jit3A, %sign3A_14 : i32
      %sign3A_16 = arith.extui %sign3A_15 : i1 to i32
      %sign3A_17 = arith.subi %sign3A_13, %sign3A_16 : i32
      %ne3A = arith.cmpi ne, %sign3A_10, %sign3A_17 : i32
      %rem3A = arith.remsi %scan3A_4, %jit3A : i32
      %ne3A_18 = arith.constant 0 : i32
      %ne3A_19 = arith.cmpi ne, %rem3A, %ne3A_18 : i32
      %and3A = arith.andi %ne3A, %ne3A_19 : i1
      %sub3A = arith.constant 1 : i32
      %sub3A_20 = arith.subi %div3A, %sub3A : i32
      %select_n3A = arith.select %and3A, %sub3A_20, %div3A : i32
      %jit3A_21 = arith.constant 8 : i32
      %eq3A = arith.constant 0 : i32
      %eq3A_22 = arith.cmpi eq, %jit3A_21, %eq3A : i32
      %jit3A_23 = arith.constant 1 : i32
      %select_n3A_24 = arith.select %eq3A_22, %jit3A_23, %jit3A_21 : i32
      %rem3A_25 = arith.remsi %scan3A_4, %select_n3A_24 : i32
      %ne3A_26 = arith.constant 0 : i32
      %ne3A_27 = arith.cmpi ne, %rem3A_25, %ne3A_26 : i32
      %lt3A = arith.constant 0 : i32
      %lt3A_28 = arith.cmpi slt, %rem3A_25, %lt3A : i32
      %lt3A_29 = arith.constant 0 : i32
      %lt3A_30 = arith.cmpi slt, %select_n3A_24, %lt3A_29 : i32
      %ne3A_31 = arith.xori %lt3A_28, %lt3A_30 : i1
      %and3A_32 = arith.andi %ne3A_31, %ne3A_27 : i1
      %add3A = arith.addi %rem3A_25, %select_n3A_24 : i32
      %select_n3A_33 = arith.select %and3A_32, %add3A, %rem3A_25 : i32
      %get3A = arith.index_cast %select_n3A : i32 to index
      %get3A_34 = memref.load %arg1[%get3A] : memref<8xi32, #tpu.memory_space<smem>>
      %get3A_35 = arith.index_cast %select_n3A_33 : i32 to index
      %get3A_36 = memref.load %arg1[%get3A_35] : memref<8xi32, #tpu.memory_space<smem>>
      %or3A = arith.ori %get3A_34, %get3A_36 : i32
      %gt3A = arith.constant 0 : i32
      %gt3A_37 = arith.cmpi sgt, %or3A, %gt3A : i32
      %convert_element_type3A = arith.extui %gt3A_37 : i1 to i32
      %cond3A = arith.constant 0 : i32
      %cond3A_38 = arith.cmpi ne, %convert_element_type3A, %cond3A : i32
      scf.if %cond3A_38 {
        %mul3A = arith.constant 512 : i32
        %mul3A_39 = arith.muli %select_n3A, %mul3A : i32
        %mul3A_40 = arith.constant 512 : i32
        %mul3A_41 = arith.muli %select_n3A_33, %mul3A_40 : i32
        %mul3A_42 = arith.constant 512 : i32
        %mul3A_43 = arith.muli %select_n3A_33, %mul3A_42 : i32
        %mul3A_44 = arith.constant 512 : i32
        %mul3A_45 = arith.muli %select_n3A, %mul3A_44 : i32
        %mul3A_46 = arith.constant 512 : i32
        %mul3A_47 = arith.muli %select_n3A_33, %mul3A_46 : i32
        %mul3A_48 = arith.constant 512 : i32
        %mul3A_49 = arith.muli %select_n3A, %mul3A_48 : i32
        %dma_start3A = tpu.memref_slice %arg3[%mul3A_39, %mul3A_41] : memref<4096x4096xf32, #tpu.memory_space<hbm>> -> memref<512x512xf32, #tpu.memory_space<hbm>>
        tpu.enqueue_dma source(%dma_start3A : memref<512x512xf32, #tpu.memory_space<hbm>>) target(%arg6 : memref<512x512xf32, #tpu.memory_space<vmem>>) target_semaphore(%arg11 : memref<!tpu.dma_semaphore, #tpu.memory_space<semaphore_mem>>)
        %dma_start3A_50 = tpu.memref_slice %arg3[%mul3A_43, %mul3A_45] : memref<4096x4096xf32, #tpu.memory_space<hbm>> -> memref<512x512xf32, #tpu.memory_space<hbm>>
        tpu.enqueue_dma source(%dma_start3A_50 : memref<512x512xf32, #tpu.memory_space<hbm>>) target(%arg7 : memref<512x512xf32, #tpu.memory_space<vmem>>) target_semaphore(%arg12 : memref<!tpu.dma_semaphore, #tpu.memory_space<semaphore_mem>>)
        %dma_start3A_51 = arith.constant 0 : i32
        %dma_start3A_52 = tpu.memref_slice %arg2[%dma_start3A_51, %mul3A_47] : memref<1x4096xf32, #tpu.memory_space<hbm>> -> memref<1x512xf32, #tpu.memory_space<hbm>>
        tpu.enqueue_dma source(%dma_start3A_52 : memref<1x512xf32, #tpu.memory_space<hbm>>) target(%arg9 : memref<1x512xf32, #tpu.memory_space<vmem>>) target_semaphore(%arg14 : memref<!tpu.dma_semaphore, #tpu.memory_space<semaphore_mem>>)
        %dma_start3A_53 = arith.constant 0 : i32
        %dma_start3A_54 = tpu.memref_slice %arg2[%dma_start3A_53, %mul3A_49] : memref<1x4096xf32, #tpu.memory_space<hbm>> -> memref<1x512xf32, #tpu.memory_space<hbm>>
        tpu.enqueue_dma source(%dma_start3A_54 : memref<1x512xf32, #tpu.memory_space<hbm>>) target(%arg10 : memref<1x512xf32, #tpu.memory_space<vmem>>) target_semaphore(%arg15 : memref<!tpu.dma_semaphore, #tpu.memory_space<semaphore_mem>>)
        %dma_wait3A = tpu.memref_slice %arg3[%mul3A_39, %mul3A_41] : memref<4096x4096xf32, #tpu.memory_space<hbm>> -> memref<512x512xf32, #tpu.memory_space<hbm>>
        tpu.wait_dma2 semaphore(%arg11 : memref<!tpu.dma_semaphore, #tpu.memory_space<semaphore_mem>>) src(%dma_wait3A : memref<512x512xf32, #tpu.memory_space<hbm>>) dst(%arg6 : memref<512x512xf32, #tpu.memory_space<vmem>>)
        %dma_wait3A_55 = tpu.memref_slice %arg3[%mul3A_43, %mul3A_45] : memref<4096x4096xf32, #tpu.memory_space<hbm>> -> memref<512x512xf32, #tpu.memory_space<hbm>>
        tpu.wait_dma2 semaphore(%arg12 : memref<!tpu.dma_semaphore, #tpu.memory_space<semaphore_mem>>) src(%dma_wait3A_55 : memref<512x512xf32, #tpu.memory_space<hbm>>) dst(%arg7 : memref<512x512xf32, #tpu.memory_space<vmem>>)
        %dma_wait3A_56 = arith.constant 0 : i32
        %dma_wait3A_57 = tpu.memref_slice %arg2[%dma_wait3A_56, %mul3A_47] : memref<1x4096xf32, #tpu.memory_space<hbm>> -> memref<1x512xf32, #tpu.memory_space<hbm>>
        tpu.wait_dma2 semaphore(%arg14 : memref<!tpu.dma_semaphore, #tpu.memory_space<semaphore_mem>>) src(%dma_wait3A_57 : memref<1x512xf32, #tpu.memory_space<hbm>>) dst(%arg9 : memref<1x512xf32, #tpu.memory_space<vmem>>)
        %dma_wait3A_58 = arith.constant 0 : i32
        %dma_wait3A_59 = tpu.memref_slice %arg2[%dma_wait3A_58, %mul3A_49] : memref<1x4096xf32, #tpu.memory_space<hbm>> -> memref<1x512xf32, #tpu.memory_space<hbm>>
        tpu.wait_dma2 semaphore(%arg15 : memref<!tpu.dma_semaphore, #tpu.memory_space<semaphore_mem>>) src(%dma_wait3A_59 : memref<1x512xf32, #tpu.memory_space<hbm>>) dst(%arg10 : memref<1x512xf32, #tpu.memory_space<vmem>>)
        %get3A_60 = arith.constant 0 : index
        %get3A_61 = arith.constant 0 : index
        %get3A_62 = vector.load %arg6[%get3A_60, %get3A_61] : memref<512x512xf32, #tpu.memory_space<vmem>>, vector<512x512xf32>
        %get3A_63 = arith.constant 0 : index
        %get3A_64 = arith.constant 0 : index
        %get3A_65 = vector.load %arg9[%get3A_63, %get3A_64] : memref<1x512xf32, #tpu.memory_space<vmem>>, vector<1x512xf32>
        %mul3A_66 = vector.broadcast %get3A_65 : vector<1x512xf32> to vector<512x512xf32>
        %mul3A_67 = arith.mulf %get3A_62, %mul3A_66 : vector<512x512xf32>
        %sub3A_68 = arith.constant 1.000000e+00 : f32
        %sub3A_69 = vector.broadcast %sub3A_68 : f32 to vector<512x512xf32>
        %sub3A_70 = arith.subf %sub3A_69, %mul3A_67 : vector<512x512xf32>
        %get3A_71 = arith.constant 0 : index
        %get3A_72 = arith.constant 0 : index
        %get3A_73 = vector.load %arg7[%get3A_71, %get3A_72] : memref<512x512xf32, #tpu.memory_space<vmem>>, vector<512x512xf32>
        %get3A_74 = arith.constant 0 : index
        %get3A_75 = arith.constant 0 : index
        %get3A_76 = vector.load %arg10[%get3A_74, %get3A_75] : memref<1x512xf32, #tpu.memory_space<vmem>>, vector<1x512xf32>
        %mul3A_77 = vector.broadcast %get3A_76 : vector<1x512xf32> to vector<512x512xf32>
        %mul3A_78 = arith.mulf %get3A_73, %mul3A_77 : vector<512x512xf32>
        %transpose3A = tpu.transpose %mul3A_78, [1, 0] : vector<512x512xf32> -> vector<512x512xf32>
        %sub3A_79 = arith.subf %sub3A_70, %transpose3A : vector<512x512xf32>
        %swap3A = arith.constant 0 : index
        %swap3A_80 = arith.constant 0 : index
        %swap3A_81 = vector.load %arg8[%swap3A, %swap3A_80] : memref<512x512xf32, #tpu.memory_space<vmem>>, vector<512x512xf32>
        tpu.vector_store %arg8[%swap3A, %swap3A_80], %sub3A_79 {strides = array<i32>} : memref<512x512xf32, #tpu.memory_space<vmem>>, vector<512x512xf32>,
        %mul3A_82 = arith.constant 512 : i32
        %mul3A_83 = arith.muli %select_n3A, %mul3A_82 : i32
        %mul3A_84 = arith.constant 512 : i32
        %mul3A_85 = arith.muli %select_n3A_33, %mul3A_84 : i32
        %dma_start3A_86 = tpu.memref_slice %arg5[%mul3A_83, %mul3A_85] : memref<4096x4096xf32, #tpu.memory_space<hbm>> -> memref<512x512xf32, #tpu.memory_space<hbm>>
        tpu.enqueue_dma source(%arg8 : memref<512x512xf32, #tpu.memory_space<vmem>>) target(%dma_start3A_86 : memref<512x512xf32, #tpu.memory_space<hbm>>) target_semaphore(%arg13 : memref<!tpu.dma_semaphore, #tpu.memory_space<semaphore_mem>>)
        %dma_wait3A_87 = tpu.memref_slice %arg5[%mul3A_83, %mul3A_85] : memref<4096x4096xf32, #tpu.memory_space<hbm>> -> memref<512x512xf32, #tpu.memory_space<hbm>>
        tpu.wait_dma2 semaphore(%arg13 : memref<!tpu.dma_semaphore, #tpu.memory_space<semaphore_mem>>) src(%arg8 : memref<512x512xf32, #tpu.memory_space<vmem>>) dst(%dma_wait3A_87 : memref<512x512xf32, #tpu.memory_space<hbm>>)
      } else {
      }
    }
    %scan3A_3 = arith.constant 64 : i32
    return
  }
  func.func @transform_0(%arg0: i32) -> i32 {
    %c0_i32 = arith.constant 0 : i32
    %c0_i32_0 = arith.constant 0 : i32
    return %c0_i32 : i32
  }
}

module attributes {stable_mosaic.version = 14 : i64} {
  func.func @_read_kernel(%arg0: i32, %arg1: memref<512x4096xf32, #tpu.memory_space<vmem>>, %arg2: memref<1x4096xf32, #tpu.memory_space<vmem>>, %arg3: memref<1x4096xf32, #tpu.memory_space<vmem>>) attributes {dimension_semantics = [#tpu.dimension_semantics<arbitrary>], iteration_bounds = array<i64: 8>, scalar_prefetch = 0 : i64, scratch_operands = 1 : i64, tpu.core_type = #tpu.core_type<tc>, window_params = [{transform_indices = @transform_0, window_bounds = array<i64: 512, 4096>}, {pipeline_mode = #tpu.pipeline_mode<synchronous>, transform_indices = @transform_1, window_bounds = array<i64: 1, 4096>}]} {
    %eq3A = arith.constant 0 : i32
    %eq3A_0 = arith.cmpi eq, %arg0, %eq3A : i32
    %convert_element_type3A = arith.extui %eq3A_0 : i1 to i32
    %cond3A = arith.constant 0 : i32
    %cond3A_1 = arith.cmpi ne, %convert_element_type3A, %cond3A : i32
    scf.if %cond3A_1 {
      %broadcast_in_dim3A_15 = arith.constant 0.000000e+00 : f32
      %broadcast_in_dim3A_16 = vector.broadcast %broadcast_in_dim3A_15 : f32 to vector<1x4096xf32>
      %swap3A_17 = arith.constant 0 : index
      %swap3A_18 = arith.constant 0 : index
      %swap3A_19 = vector.load %arg3[%swap3A_17, %swap3A_18] : memref<1x4096xf32, #tpu.memory_space<vmem>>, vector<1x4096xf32>
      tpu.vector_store %arg3[%swap3A_17, %swap3A_18], %broadcast_in_dim3A_16 {strides = array<i32>} : memref<1x4096xf32, #tpu.memory_space<vmem>>, vector<1x4096xf32>,
    } else {
    }
    %get3A = arith.constant 0 : index
    %get3A_2 = arith.constant 0 : index
    %get3A_3 = vector.load %arg3[%get3A, %get3A_2] : memref<1x4096xf32, #tpu.memory_space<vmem>>, vector<1x4096xf32>
    %get3A_4 = arith.constant 0 : index
    %get3A_5 = arith.constant 0 : index
    %get3A_6 = vector.load %arg1[%get3A_4, %get3A_5] : memref<512x4096xf32, #tpu.memory_space<vmem>>, vector<512x4096xf32>
    %reduce_sum3A = arith.constant dense<0.000000e+00> : vector<4096xf32>
    %reduce_sum3A_7 = vector.multi_reduction <add>, %get3A_6, %reduce_sum3A [0] : vector<512x4096xf32> to vector<4096xf32>
    %broadcast_in_dim3A = vector.shape_cast %reduce_sum3A_7 : vector<4096xf32> to vector<1x4096xf32>
    %add3A = arith.addf %get3A_3, %broadcast_in_dim3A : vector<1x4096xf32>
    %swap3A = arith.constant 0 : index
    %swap3A_8 = arith.constant 0 : index
    %swap3A_9 = vector.load %arg3[%swap3A, %swap3A_8] : memref<1x4096xf32, #tpu.memory_space<vmem>>, vector<1x4096xf32>
    tpu.vector_store %arg3[%swap3A, %swap3A_8], %add3A {strides = array<i32>} : memref<1x4096xf32, #tpu.memory_space<vmem>>, vector<1x4096xf32>,
    %eq3A_10 = arith.constant 7 : i32
    %eq3A_11 = arith.cmpi eq, %arg0, %eq3A_10 : i32
    %convert_element_type3A_12 = arith.extui %eq3A_11 : i1 to i32
    %cond3A_13 = arith.constant 0 : i32
    %cond3A_14 = arith.cmpi ne, %convert_element_type3A_12, %cond3A_13 : i32
    scf.if %cond3A_14 {
      %get3A_15 = arith.constant 0 : index
      %get3A_16 = arith.constant 0 : index
      %get3A_17 = vector.load %arg3[%get3A_15, %get3A_16] : memref<1x4096xf32, #tpu.memory_space<vmem>>, vector<1x4096xf32>
      %eq3A_18 = arith.constant 1.000000e+00 : f32
      %eq3A_19 = vector.broadcast %eq3A_18 : f32 to vector<1x4096xf32>
      %eq3A_20 = arith.cmpf oeq, %get3A_17, %eq3A_19 : vector<1x4096xf32>
      %convert_element_type3A_21 = arith.extui %eq3A_20 : vector<1x4096xi1> to vector<1x4096xi32>
      %convert_element_type3A_22 = arith.sitofp %convert_element_type3A_21 : vector<1x4096xi32> to vector<1x4096xf32>
      %swap3A_23 = arith.constant 0 : index
      %swap3A_24 = arith.constant 0 : index
      %swap3A_25 = vector.load %arg2[%swap3A_23, %swap3A_24] : memref<1x4096xf32, #tpu.memory_space<vmem>>, vector<1x4096xf32>
      tpu.vector_store %arg2[%swap3A_23, %swap3A_24], %convert_element_type3A_22 {strides = array<i32>} : memref<1x4096xf32, #tpu.memory_space<vmem>>, vector<1x4096xf32>,
    } else {
    }
    return
  }
  func.func @transform_0(%arg0: i32) -> (i32, i32) {
    %c0_i32 = arith.constant 0 : i32
    %c0_i32_0 = arith.constant 0 : i32
    return %arg0, %c0_i32 : i32, i32
  }
  func.func @transform_1(%arg0: i32) -> (i32, i32) {
    %c0_i32 = arith.constant 0 : i32
    %c0_i32_0 = arith.constant 0 : i32
    %c0_i32_1 = arith.constant 0 : i32
    return %c0_i32, %c0_i32_0 : i32, i32
  }
}

</mosaic_0001>

<sc_bundles>
// kernel: kernel.6.cloned.1.call-start
scs
__scs_entry_jumppad:
0x0: {  	(pc) =	sbr.rel $0x88, $3  }
0x1: {  	(tag) =	ssettag $0x0;
	lr =	simm.s32 $0x1  }
0x2: {  	[smem:$0x3FA0] =	sst lr;
	_ =	strace $0xD0000000  }
0x3: {  	_ = 	snop  }
0x4: {  	_ = 	snop  }
0x5: {  	_ = 	snop  }
0x6: {  	_ = 	snop  }
0x7: {  	_ = 	snop  }
__scs_overlays_trampoline_lowered:
0x8: {  	[smem:$0x3FAF] =	sst s0  }
0x9: {  	[smem:$0x3FB0] =	sst s1  }
0xa: {  	[smem:$0x3FB1] =	sst s2  }
0xb: {  	[smem:$0x3FB2] =	sst s3  }
0xc: {  	[smem:$0x3FB3] =	sst s4  }
0xd: {  	[smem:$0x3FB4] =	sst s5  }
0xe: {  	[smem:$0x3FB5] =	sst s6  }
0xf: {  	[smem:$0x3FB6] =	sst s7  }
0x10: {  	[smem:$0x3FB7] =	sst s8  }
0x11: {  	[smem:$0x3FB8] =	sst s9;
	s0 =	simm.s32 @!p0 $0x0  }
0x12: {  	s1 =	sld [smem:$0x3F9E];
	s0 =	simm.s32 @p0 $0x1  }
0x13: {  	[smem:$0x3FB9] =	sst s0;
	s0 =	simm.s32 @!p1 $0x0  }
0x14: {  	s2 =	sld [smem:$0x3F9D];
	s0 =	simm.s32 @p1 $0x1  }
0x15: {  	[smem:$0x3FBA] =	sst s0;
	s0 =	simm.s32 @!p2 $0x0  }
0x16: {  	s3 =	sld [smem:$0x3FDB];
	s0 =	simm.s32 @p2 $0x1  }
0x17: {  	s4 =	simm.s32 $0x1BF5;
	[smem:$0x3FBC] =	sst s0  }
0x18: {  	s0 =	sld [smem:$0x3F9F];
	_ =	swait.ge [sflag:s4], $0x0  }
0x19: {  	s7 =	sld [smem:$0x3FA0]  }
0x1a: {  	s8 =	sadd.s32 $0xFFFFE003, lr  }
0x1b: {  	s9 =	sadd.s32 $0xFFFFFEF7, lr;
	s5 =	simm.s32 $0xFFFFFFFF;
	p2 =	slt.u32 s8, $0xFFFFF086  }
0x1c: {  	p1 =	slt.u32 s9, $0xF7A;
	s5 =	simm.s32 @!p2 $0x0  }
0x1d: {  	s5 =	simm.s32 @p1 $0x1;
	p0 =	seq.s32 s7, s2  }
0x1e: {  	s7 =	smul.u32 @!p0 $0xF7A, s2;
	p2 =	seq.s32 @!p0 s5, $0x0  }
0x1f: {  	s9 =	smul.u32 $0xF7A, s1;
	s8 =	simm.s32 @!p0 $0x1BF5;
	p2 =	por !p2, p0  }
0x20: {  	[sflag:s8] =	ssyncset.s32 @!p0 $0xFFFFF086;
	s6 =	sadd.s32 @!p0 s3, s7;
	s7 =	simm.s32 @!p0 $0x108  }
0x21: {  	s3 =	sadd.s32 s3, s9;
	s6 =	sadd.s32 @!p0 $0x88, s6;
	s7 =	simm.s32 @p2 $0x1082  }
0x22: {  	[simem:s7], [sflag:s8] =	dma.local @!p0 [hbm:s6], $0xF7A  }
0x23: {  	s9 =	sor.u32 $0xD0000000, s2;
	s6 =	simm.s32 $0x108;
	_ =	swait.ge @!p0 [sflag:s8], $0x0  }
0x24: {  	s3 =	sadd.s32 $0x88, s3;
	s6 =	simm.s32 @!p1 $0x1082;
	[sflag:s4] =	ssyncset.s32 $0xFFFFF086  }
0x25: {  	[simem:s6], [sflag:s4] =	dma.local [hbm:s3], $0xF7A  }
0x26: {  	[smem:$0x3FA0] =	sst s1;
	(tag) =	ssettag s2;
	_ =	strace s9  }
0x27: {  	s1 =	sld [smem:$0x3FB0]  }
0x28: {  	s2 =	sld [smem:$0x3FB1]  }
0x29: {  	s4 =	sld [smem:$0x3FB3]  }
0x2a: {  	p0 =	seq.s32 s5, $0x0;
	s5 =	sld [smem:$0x3FB4]  }
0x2b: {  	s6 =	sld [smem:$0x3FB5]  }
0x2c: {  	s7 =	sld [smem:$0x3FB6]  }
0x2d: {  	s3 =	simm.s32 $0x108;
	s8 =	sld [smem:$0x3FB7]  }
0x2e: {  	s3 =	simm.s32 @!p0 $0x1082;
	s9 =	sld [smem:$0x3FB8]  }
0x2f: {  	lr =	sadd.s32 s0, s3;
	s0 =	sld [smem:$0x3FAF]  }
0x30: {  	s3 =	sld [smem:$0x3FB2]  }
0x31: {  	[smem:$0x3FBB] =	sst s10  }
0x32: {  	s10 =	sld [smem:$0x3FB9];
	_ =	sdelay $0x3  }
0x33: {  	p0 =	seq.s32 s10, $0x1;
	s10 =	sld [smem:$0x3FBB];
	_ =	sdelay $0x3  }
0x34: {  	[smem:$0x3FBB] =	sst s10  }
0x35: {  	s10 =	sld [smem:$0x3FBA];
	_ =	sdelay $0x3  }
0x36: {  	p1 =	seq.s32 s10, $0x1;
	s10 =	sld [smem:$0x3FBB];
	_ =	sdelay $0x3  }
0x37: {  	[smem:$0x3FBB] =	sst s10  }
0x38: {  	s10 =	sld [smem:$0x3FBC]  }
0x39: {  	_ = 	snop;
	(pc) =	sbr.ind lr, $3  }
0x3a: {  	_ = 	snop  }
0x3b: {  	_ = 	snop  }
0x3c: {  	p2 =	seq.s32 s10, $0x1;
	s10 =	sld [smem:$0x3FBB]  }
0x3d: {  	_ =	shalt  }
0x3e: {  	_ =	shalt  }
0x3f: {  	_ =	shalt  }
0x40: {  	_ =	shalt  }
0x41: {  	_ =	shalt  }
0x42: {  	_ =	shalt  }
0x43: {  	_ =	shalt  }
0x44: {  	_ =	shalt  }
0x45: {  	_ =	shalt  }
0x46: {  	_ =	shalt  }
0x47: {  	_ =	shalt  }
0x48: {  	_ =	shalt  }
0x49: {  	_ =	shalt  }
0x4a: {  	_ =	shalt  }
0x4b: {  	_ =	shalt  }
0x4c: {  	_ =	shalt  }
0x4d: {  	_ =	shalt  }
0x4e: {  	_ =	shalt  }
0x4f: {  	_ =	shalt  }
0x50: {  	_ =	shalt  }
0x51: {  	_ =	shalt  }
0x52: {  	_ =	shalt  }
0x53: {  	_ =	shalt  }
0x54: {  	_ =	shalt  }
0x55: {  	_ =	shalt  }
0x56: {  	_ =	shalt  }
0x57: {  	_ =	shalt  }
0x58: {  	_ =	shalt  }
0x59: {  	_ =	shalt  }
0x5a: {  	_ =	shalt  }
0x5b: {  	_ =	shalt  }
0x5c: {  	_ =	shalt  }
0x5d: {  	_ =	shalt  }
0x5e: {  	_ =	shalt  }
0x5f: {  	_ =	shalt  }
0x60: {  	_ =	shalt  }
0x61: {  	_ =	shalt  }
0x62: {  	_ =	shalt  }
0x63: {  	_ =	shalt  }
0x64: {  	_ =	shalt  }
0x65: {  	_ =	shalt  }
0x66: {  	_ =	shalt  }
0x67: {  	_ =	shalt  }
0x68: {  	_ =	shalt  }
0x69: {  	_ =	shalt  }
0x6a: {  	_ =	shalt  }
0x6b: {  	_ =	shalt  }
0x6c: {  	_ =	shalt  }
0x6d: {  	_ =	shalt  }
0x6e: {  	_ =	shalt  }
0x6f: {  	_ =	shalt  }
0x70: {  	_ =	shalt  }
0x71: {  	_ =	shalt  }
0x72: {  	_ =	shalt  }
0x73: {  	_ =	shalt  }
0x74: {  	_ =	shalt  }
0x75: {  	_ =	shalt  }
0x76: {  	_ =	shalt  }
0x77: {  	_ =	shalt  }
0x78: {  	_ =	shalt  }
0x79: {  	_ =	shalt  }
0x7a: {  	_ =	shalt  }
0x7b: {  	_ =	shalt  }
0x7c: {  	_ =	shalt  }
0x7d: {  	_ =	shalt  }
0x7e: {  	_ =	shalt  }
0x7f: {  	_ =	shalt  }
0x80: {  	_ =	shalt  }
0x81: {  	_ =	shalt  }
0x82: {  	_ =	shalt  }
0x83: {  	_ =	shalt  }
0x84: {  	_ =	shalt  }
0x85: {  	_ =	shalt  }
0x86: {  	_ =	shalt  }
0x87: {  	_ =	shalt  }
.Lfunc_end0:
.L_simem_size_0:
called_computation_lowered:
.L_overlay_start_0:
0x88: {  	s2 =	sld [smem:$0x3FD9]  }
0x89: {  	s3 =	sld [smem:$0x3FFE];
	_ =	sdelay $0x1  }
0x8a: {  	s1 =	srdreg.scid  }
0x8b: {  	s0 =	sand.u32 $0x1, s1  }
0x8c: {  	s17 =	sshll.u32 s0, $0xA;
	s2 =	sadd.s32 s3, s2  }
0x8d: {  	s2 =	sadd.s32 s2, s17  }
0x8e: {  	[smem:$0x3FC7] =	sst s2  }
0x8f: {  	_ = 	snop  }
0x90: {  	s2 =	sld [smem:$0x3FD0];
	(tm) =	ssettm $0x1  }
0x91: {  	s18 =	sld [smem:$0x3FFB];
	_ =	sdelay $0x3  }
0x92: {  	_ =	strace s18  }
0x93: {  	s3 =	sld [smem:$0x3FFC];
	_ =	sdelay $0x3  }
0x94: {  	_ =	strace s3  }
0x95: {  	s3 =	sld [smem:$0x3FFD];
	_ =	sdelay $0x3  }
0x96: {  	_ =	strace s3  }
0x97: {  	_ =	strace $0x8FFFFFFF  }
0x98: {  	s19 =	sld [smem:$0x3FDB];
	_ =	sdelay $0x1  }
0x99: {  	s4 =	simm.s32 $_scs_section_size  }
0x9a: {  	s5 =	simm.s32 $_size__tile_overlayer_lowered;
	s6 =	simm.s32 $_tile_overlayer_lowered  }
0x9b: {  	s22 =	simm.s32 $0x1BFF;
	s21 =	sshll.u32 s6, $0x1;
	s3 =	sadd.s32 s4, s19  }
0x9c: {  	s7 =	simm.s32 $0x0;
	s20 =	sshll.u32 s5, $0x1;
	s5 =	sadd.s32 s21, s3  }
0x9d: {  	[timem:s7], [sflag:s22] =	dma.local [hbm:s5], s20  }
0x9e: {  	_ =	swait.ge [sflag:s22], s20  }
0x9f: {  	s4 =	ssub.s32 $0x0, s20;
	[sflag:s22] =	ssyncset.done $0x0  }
0xa0: {  	[sflag:s22] =	ssyncadd.s32 s4;
	_ =	sdelay $0x1  }
0xa1: {  	s23 =	simm.s32 $0x1B8B  }
0xa2: {  	_ =	swait.ge [sflag:s23], $0x1  }
0xa3: {  	[sflag:s23] =	ssyncset.done $0x0  }
0xa4: {  	s25 =	simm.s32 $0x1B8E;
	s24 =	sld [smem:$0x3FFE];
	[sflag:s23] =	ssyncadd.s32 $0xFFFFFFFF  }
0xa5: {  	s26 =	simm.s32 $execute0_lowered;
	[smem:$0x3FD2] =	sst s25  }
0xa6: {  	s5 =	sshll.u32 s26, $0x1;
	_ =	strace $0x80000046;
	[dreg:$0x1] =	wrdreg $0xFFFFFFFF  }
0xa7: {  	s28 =	simm.s32 $_size_execute0_lowered;
	s3 =	sadd.s32 s3, s5;
	[dreg:$0x0] =	wrdreg $0x0  }
0xa8: {  	s5 =	sshll.u32 s28, $0x1;
	[dreg:$0x2] =	wrdreg s3  }
0xa9: {  	[dreg:$0x3] =	wrdreg s5  }
0xaa: {  	[dreg:$0x4] =	wrdreg $0xC0  }
0xab: {  	_ =	task [dreg:s7], $0x5FFFF  }
0xac: {  	[dreg:$0x1] =	wrdreg $0xFFFFFFFF  }
0xad: {  	[dreg:$0x0] =	wrdreg $0x60  }
0xae: {  	[dreg:$0x2] =	wrdreg s24  }
0xaf: {  	[dreg:$0x3] =	wrdreg s2  }
0xb0: {  	[dreg:$0x4] =	wrdreg $0x9  }
0xb1: {  	_ =	task.clear_ibuf [dreg:s7], $0x5FFFF;
	_ =	strace $0x90000046  }
0xb2: {  	s29 =	simm.s32 $0x9;
	_ =	strace $0x80000048  }
0xb3: {  	_ =	swait.ge [sflag:s29], $0x1  }
0xb4: {  	[sflag:s29] =	ssyncadd.s32 $0xFFFFFFFF  }
0xb5: {  	_ =	strace $0x90000048  }
0xb6: {  	_ =	sfence  }
0xb7: {  	s30 =	sld [smem:$0x0];
	_ =	sdelay $0x2  }
0xb8: {  	s31 =	sshll.u32 s1, $0xD;
	s1 =	sshrl.u32 s1, $0x2  }
0xb9: {  	s3 =	sand.u32 $0x4000, s31;
	s1 =	sadd.s32 s1, s30  }
0xba: {  	s0 =	sor.u32 s3, s0;
	s1 =	sshll.u32 s1, $0x11  }
0xbb: {  	s0 =	sor.u32 s1, s0  }
0xbc: {  	s0 =	sadd.s32 $0x8F2B, s0  }
0xbd: {  	[sflag:s0] =	ssyncadd.remote.s32 $0x1  }
0xbe: {  	_ =	sfence.sel $0xFFFF  }
0xbf: {  	[dreg:$0x0] =	wrdreg $0xFFFFFFFF;
	(pc) =	sbr.abs _section_cstart, $3  }
0xc0: {  	[dreg:$0x1] =	wrdreg $0xFFFFFFFF  }
0xc1: {  	_ =	task.clear_ibuf [dreg:s7], $0x2FFFF;
	_ =	strace $0x9FFFFFFF  }
0xc2: {  	(tm) =	ssettm $0x7FFFFFFF  }
0xc3: {  	_ =	shalt  }
tec
execute0_lowered:
.L_overlay_start_1:
0x0: {  	(tag) =	ssettag $0x1  }
0x1: {  	s1 =	rddreg [dreg:$0x0]  }
0x2: {  	s5 =	rddreg [dreg:$0x1]  }
0x3: {  	s0 =	rddreg [dreg:$0x2];
	s2 =	simm.s32 $0x0  }
0x4: {  	s3 =	srdreg.scid;
	[smem:$0x7FF] =	sst s2  }
0x5: {  	s4 =	simm.s32 $0x2;
	s10 =	sand.u32 $0x1, s3;
	_ =	strace $0x80000047  }
0x6: {  	[tilespmem:s2], [sflag:$0x2] =	stream.linear.gather [hbm4b:s1+s2], $0x10000, $0x38;
	[tilespmem:$0x10000] =	vst v63  }
0x7: {  	s3 =	stileid.u32;
	s6 =	sshll.u32 s10, $0xF;
	_ =	swait.ge [sflag:s4], $0x10000  }
0x8: {  	s7 =	sshll.u32 s3, $0x10;
	s5 =	sadd.s32 s5, s6;
	[sflag:s4] =	ssyncset.done $0x0  }
0x9: {  	s5 =	sadd.s32 s7, s5;
	[sflag:s4] =	ssyncadd.s32 $0xFFFF0000  }
0xa: {  	[hbm4b:s5+s2] =	stream.linear.scatter [tilespmem:s2], [sflag:$0x1], $0x10000, $0x38;
	[tilespmem:$0x10000] =	vst v63  }
0xb: {  	s6 =	sadd.s32 $0x2000, s5  }
0xc: {  	[hbm4b:s6+s2] =	stream.linear.scatter [tilespmem:s2], [sflag:$0x1], $0x10000, $0x38;
	[tilespmem:$0x10000] =	vst v63  }
0xd: {  	s7 =	sadd.s32 $0x4000, s5  }
0xe: {  	[hbm4b:s7+s2] =	stream.linear.scatter [tilespmem:s2], [sflag:$0x1], $0x10000, $0x38;
	[tilespmem:$0x10000] =	vst v63  }
0xf: {  	s8 =	simm.s32 $0x1;
	s9 =	sadd.s32 $0x6000, s5  }
0x10: {  	[hbm4b:s9+s2] =	stream.linear.scatter [tilespmem:s2], [sflag:$0x1], $0x10000, $0x38;
	[tilespmem:$0x10000] =	vst v63  }
0x11: {  	_ =	swait.ge [sflag:s8], $0x10000  }
0x12: {  	s10 =	ssub.s32 $0x2, s10;
	[sflag:s8] =	ssyncset.done $0x0  }
0x13: {  	s11 =	sshrl.u32 s10, $0x1;
	[sflag:s8] =	ssyncadd.s32 $0xFFFF0000  }
0x14: {  	s10 =	ssub.s32 s10, s11;
	_ =	swait.ge [sflag:s8], $0x10000  }
0x15: {  	s10 =	smax.u32 s10, $0x1;
	[sflag:s8] =	ssyncset.done $0x0  }
0x16: {  	p0 =	sne.s32 s10, $0x1;
	[sflag:s8] =	ssyncadd.s32 $0xFFFF0000  }
.Ltmp0:
0x17: {  	_ =	swait.ge [sflag:s8], $0x10000;
	(pc) =	sbr.rel @!p0 .LBB2_2-.Ltmp0, $4  }
0x18: {  	[sflag:s8] =	ssyncset.done $0x0  }
0x19: {  	[sflag:s8] =	ssyncadd.s32 $0xFFFF0000  }
0x1a: {  	_ =	swait.ge [sflag:s8], $0x10000  }
0x1b: {  	s10 =	sadd.s32 $0xFFFFFFFF, s10;
	[sflag:s8] =	ssyncset.done $0x0  }
.LBB2_1:
0x1c: {  	p0 =	sne.s32 s10, $0x1;
	s10 =	sadd.s32 $0xFFFFFFFF, s10;
	[sflag:s8] =	ssyncadd.s32 $0xFFFF0000  }
0x1d: {  	[tilespmem:s2], [sflag:$0x2] =	stream.linear.gather [hbm4b:s1+s2], $0x10000, $0x38;
	[tilespmem:$0x10000] =	vst v63  }
0x1e: {  	_ =	swait.ge [sflag:s4], $0x10000  }
0x1f: {  	[sflag:s4] =	ssyncset.done $0x0  }
0x20: {  	[sflag:s4] =	ssyncadd.s32 $0xFFFF0000  }
0x21: {  	[hbm4b:s5+s2] =	stream.linear.scatter [tilespmem:s2], [sflag:$0x1], $0x10000, $0x38;
	[tilespmem:$0x10000] =	vst v63  }
0x22: {  	_ = 	snop  }
0x23: {  	[hbm4b:s6+s2] =	stream.linear.scatter [tilespmem:s2], [sflag:$0x1], $0x10000, $0x38;
	[tilespmem:$0x10000] =	vst v63  }
0x24: {  	_ = 	snop  }
0x25: {  	[hbm4b:s7+s2] =	stream.linear.scatter [tilespmem:s2], [sflag:$0x1], $0x10000, $0x38;
	[tilespmem:$0x10000] =	vst v63  }
0x26: {  	_ = 	snop  }
0x27: {  	[hbm4b:s9+s2] =	stream.linear.scatter [tilespmem:s2], [sflag:$0x1], $0x10000, $0x38;
	[tilespmem:$0x10000] =	vst v63  }
0x28: {  	_ =	swait.ge [sflag:s8], $0x10000  }
0x29: {  	[sflag:s8] =	ssyncset.done $0x0  }
0x2a: {  	[sflag:s8] =	ssyncadd.s32 $0xFFFF0000  }
0x2b: {  	_ =	swait.ge [sflag:s8], $0x10000  }
0x2c: {  	[sflag:s8] =	ssyncset.done $0x0  }
0x2d: {  	[sflag:s8] =	ssyncadd.s32 $0xFFFF0000  }
.Ltmp1:
0x2e: {  	_ =	swait.ge [sflag:s8], $0x10000;
	(pc) =	sbr.rel @p0 .LBB2_1-.Ltmp1, $4  }
0x2f: {  	[sflag:s8] =	ssyncset.done $0x0  }
0x30: {  	[sflag:s8] =	ssyncadd.s32 $0xFFFF0000  }
0x31: {  	_ =	swait.ge [sflag:s8], $0x10000  }
0x32: {  	[sflag:s8] =	ssyncset.done $0x0  }
.LBB2_2:
0x33: {  	[sflag:s8] =	ssyncadd.s32 $0xFFFF0000  }
0x34: {  	_ =	sfence.sel $0x180000  }
0x35: {  	[bflag:$0x0] =	sbarrier.arrive $0xFFFF  }
0x36: {  	p0 =	sne.s32 s3, $0x0;
	_ =	strace $0x90000047  }
0x37: {  	s0 =	sadd.s32 @!p0 $0x100000, s0;
	[bflag:$0x2] =	sbarrier.arrive $0xFFFF  }
0x38: {  	[sflag:s0] =	ssyncadd.tile.s32 @!p0 $0x1;
	_ =	shalt  }
.Lfunc_end2:
_tile_overlayer_lowered:
.L_overlay_start_2:
0x39: {  	(tag) =	ssettag $0x2  }
0x3a: {  	s0 =	rddreg [dreg:$0x0];
	s2 =	stileid.u32  }
0x3b: {  	s1 =	rddreg [dreg:$0x1];
	p0 =	sne.s32 s2, $0x0  }
0x3c: {  	s3 =	rddreg [dreg:$0x2];
	[bflag:$0x3] =	sbarrier.arrive $0xFFFF;
	s2 =	simm.s32 @!p0 $0x1C02  }
0x3d: {  	[timem:s3], [sflag:s2] =	dma.local @!p0 [hbm:s0], s1  }
0x3e: {  	s0 =	simm.s32 @!p0 $0x2  }
0x3f: {  	_ =	swait.ge @!p0 [sflag:s0], s1  }
0x40: {  	s1 =	ssub.s32 @!p0 $0x0, s1;
	[sflag:s0] =	ssyncset.done @!p0 $0x0  }
0x41: {  	[sflag:s0] =	ssyncadd.s32 @!p0 s1  }
0x42: {  	[bflag:$0x3] =	sbarrier.arrive $0xFFFF  }
0x43: {  	_ =	shalt  }

</sc_bundles>
